<compile_context>
chip_gen: v7x
topology: tpu7x:2x2x1
jax: 0.10.2.dev20260603
libtpu: 0.0.44.dev20260713+nightly
codegen_flags: <defaults>
</compile_context>

<pallas_src>
import functools

import jax
import jax.numpy as jnp
from jax import lax
from jax.experimental import pallas as pl
from jax.experimental.pallas import tpu as pltpu
from jax.experimental.pallas import tpu_sc as plsc

N = 50000
D = 64
E = 800000
NUM_LAYERS = 3

NC, NS, LANES = 2, 16, 16

NPAD = 50176

CHUNK = 128
BLK = 512
RB = BLK // CHUNK
NB = 98
NBLK = NS * NB
EPAD = NBLK * BLK

OCH = 112

_mesh = plsc.VectorSubcoreMesh(
    core_axis_name="c", subcore_axis_name="s", num_cores=NC, num_subcores=NS
)
_sc_params = pltpu.CompilerParams(use_tc_tiling_on_sc=False)


@jax.jit
def _deg_partial(idxc):

    @functools.partial(
        pl.kernel,
        out_type=jax.ShapeDtypeStruct((2, NPAD, LANES), jnp.float32),
        mesh=_mesh,
        compiler_params=_sc_params,
        scratch_types=[
            pltpu.VMEM_SHARED((ACC2_ROWS, LANES), jnp.float32),
            pltpu.VMEM((RB * 2, CHUNK), jnp.int32),
            pltpu.VMEM((RB * 2, CHUNK), jnp.int32),
            pltpu.VMEM((CHUNK, LANES), jnp.float32),
            pltpu.VMEM((OCH, LANES), jnp.float32),
            pltpu.SemaphoreType.DMA,
            pltpu.SemaphoreType.DMA,
            pltpu.SemaphoreType.DMA,
        ],
    )
    def k(idx_hbm, deg_hbm, acc, iba, ibb, ones, obuf, sema, semb, sems):
        cid = lax.axis_index("c")
        sid = lax.axis_index("s")
        b0 = sid * NB

        @pl.loop(0, CHUNK)
        def _(i):
            ones[i, :] = jnp.ones((LANES,), jnp.float32)

        @pl.loop(0, OCH)
        def _(i):
            obuf[i, :] = jnp.zeros((LANES,), jnp.float32)

        @pl.loop(0, NROWS_PER_TILE // OCH)
        def _(j):
            pltpu.async_copy(
                obuf, acc.at[pl.ds(sid * NROWS_PER_TILE + j * OCH, OCH)],
                sems)

        @pl.loop(0, NROWS_PER_TILE // OCH)
        def _(j):
            pltpu.make_async_copy(
                obuf, acc.at[pl.ds(sid * NROWS_PER_TILE + j * OCH, OCH)],
                sems).wait()

        plsc.subcore_barrier()

        pltpu.async_copy(idx_hbm.at[b0], iba, sema)
        pltpu.async_copy(idx_hbm.at[b0 + 1], ibb, semb)

        @pl.loop(0, NB // 2)
        def _(j):
            blk = b0 + 2 * j
            for ib, sem, off in ((iba, sema, 2), (ibb, semb, 3)):
                pltpu.make_async_copy(idx_hbm.at[b0], ib, sem).wait()
                hs = [pltpu.async_copy(
                          ones, acc.at[ib.at[2 * cid + r]], sems, add=True)
                      for r in range(2)]
                for h in hs:
                    h.wait()

                @pl.when(j < NB // 2 - 1)
                def _():
                    pltpu.async_copy(idx_hbm.at[blk + off], ib, sem)

        plsc.subcore_barrier()

        r0 = sid * NROWS_PER_TILE
        pltpu.sync_copy(acc.at[pl.ds(r0, NROWS_PER_TILE)],
                        deg_hbm.at[cid].at[pl.ds(r0, NROWS_PER_TILE)])

    return k(idxc)


DH = D // 2
ACC2_ROWS = NPAD + 8
DUMMY2 = NPAD
NROWS_PER_TILE = NPAD // NS


@jax.jit
def _layer(xs, idxc, degp):

    @functools.partial(
        pl.kernel,
        out_type=jax.ShapeDtypeStruct((2, NPAD, DH), jnp.float32),
        mesh=_mesh,
        compiler_params=_sc_params,
        scratch_types=[
            pltpu.VMEM_SHARED((ACC2_ROWS, DH), jnp.float32),
            pltpu.VMEM((RB * 2, CHUNK), jnp.int32),
            pltpu.VMEM((RB * 2, CHUNK), jnp.int32),
            pltpu.VMEM((CHUNK, DH), jnp.float32),
            pltpu.VMEM((CHUNK, DH), jnp.float32),
            pltpu.VMEM((CHUNK, DH), jnp.float32),
            pltpu.VMEM((CHUNK, DH), jnp.float32),
            pltpu.VMEM((OCH, DH), jnp.float32),
            pltpu.VMEM((OCH, LANES), jnp.float32),
            pltpu.VMEM((OCH, LANES), jnp.float32),
            pltpu.SemaphoreType.DMA,
            pltpu.SemaphoreType.DMA,
            [pltpu.SemaphoreType.DMA] * 4,
            [pltpu.SemaphoreType.DMA] * 4,
        ],
    )
    def k(x_hbm, idx_hbm, deg_hbm, xn_hbm,
          acc, iba, ibb, xb0, xb1, xb2, xb3, obuf, sbuf0, sbuf1,
          sema, semb, gs, ss):
        cid = lax.axis_index("c")
        sid = lax.axis_index("s")
        b0 = sid * NB
        xbs = (xb0, xb1, xb2, xb3)

        _zero_acc2(acc, obuf, sid, sema)
        plsc.subcore_barrier()

        pltpu.async_copy(idx_hbm.at[b0], iba, sema)
        pltpu.async_copy(idx_hbm.at[b0 + 1], ibb, semb)

        @pl.loop(0, NB // 2)
        def _(j):
            blk = b0 + 2 * j
            pltpu.make_async_copy(idx_hbm.at[b0], iba, sema).wait()
            gA = [pltpu.async_copy(x_hbm.at[cid].at[iba.at[RB + r]],
                                   xbs[r], gs[r]) for r in range(RB)]
            sA = []
            for r in range(RB):
                gA[r].wait()
                sA.append(pltpu.async_copy(
                    xbs[r], acc.at[iba.at[r]], ss[r], add=True))

            pltpu.make_async_copy(idx_hbm.at[b0], ibb, semb).wait()
            gB = []
            for r in range(RB):
                sA[r].wait()
                gB.append(pltpu.async_copy(
                    x_hbm.at[cid].at[ibb.at[RB + r]], xbs[r], gs[r]))

            @pl.when(j < NB // 2 - 1)
            def _():
                pltpu.async_copy(idx_hbm.at[blk + 2], iba, sema)
            sB = []
            for r in range(RB):
                gB[r].wait()
                sB.append(pltpu.async_copy(
                    xbs[r], acc.at[ibb.at[r]], ss[r], add=True))
            for h in sB:
                h.wait()

            @pl.when(j < NB // 2 - 1)
            def _():
                pltpu.async_copy(idx_hbm.at[blk + 3], ibb, semb)

        plsc.subcore_barrier()

        @pl.loop(0, NROWS_PER_TILE // OCH)
        def _(kk):
            r0 = sid * NROWS_PER_TILE + kk * OCH
            pltpu.sync_copy(acc.at[pl.ds(r0, OCH)], obuf)
            pltpu.sync_copy(deg_hbm.at[0].at[pl.ds(r0, OCH)], sbuf0)
            pltpu.sync_copy(deg_hbm.at[1].at[pl.ds(r0, OCH)], sbuf1)

            @pl.loop(0, OCH)
            def _(i):
                d = sbuf0[i, :] + sbuf1[i, :]
                s = jnp.where(d > 0.0, 1.0 / d, 0.0)
                for j in range(DH // LANES):
                    sl = pl.ds(j * LANES, LANES)
                    obuf[i, sl] = obuf[i, sl] * s

            pltpu.sync_copy(obuf, xn_hbm.at[cid].at[pl.ds(r0, OCH)])

    return k(xs, idxc, degp)


def _zero_acc2(acc, obuf, sid, sem):
    @pl.loop(0, OCH)
    def _(i):
        for j in range(DH // LANES):
            obuf[i, pl.ds(j * LANES, LANES)] = jnp.zeros((LANES,), jnp.float32)

    @pl.loop(0, NROWS_PER_TILE // OCH)
    def _(j):
        pltpu.async_copy(
            obuf, acc.at[pl.ds(sid * NROWS_PER_TILE + j * OCH, OCH)], sem)

    @pl.loop(0, NROWS_PER_TILE // OCH)
    def _(j):
        pltpu.make_async_copy(
            obuf, acc.at[pl.ds(sid * NROWS_PER_TILE + j * OCH, OCH)],
            sem).wait()


def _mean4_kernel(a_ref, b_ref, c_ref, d_ref, o_ref):
    o_ref[...] = (a_ref[...] + b_ref[...] + c_ref[...] + d_ref[...]) * 0.25


@jax.jit
def _mean4(a, b, c, d):
    blk = 3136
    spec = pl.BlockSpec((1, blk, DH), lambda i, j: (i, j, 0))
    return pl.pallas_call(
        _mean4_kernel,
        grid=(2, NPAD // blk),
        in_specs=[spec, spec, spec, spec],
        out_specs=spec,
        out_shape=jax.ShapeDtypeStruct((2, NPAD, DH), jnp.float32),
    )(a, b, c, d)


@jax.jit
def kernel(edge_index, weight):
    row = edge_index[0].astype(jnp.int32)
    col = edge_index[1].astype(jnp.int32)
    rowp = jnp.concatenate([row, jnp.full((EPAD - E,), DUMMY2, jnp.int32)])
    colp = jnp.concatenate([col, jnp.zeros((EPAD - E,), jnp.int32)])
    idxc = jnp.concatenate(
        [rowp.reshape(NBLK, RB, CHUNK), colp.reshape(NBLK, RB, CHUNK)], axis=1)
    pad = jnp.zeros((NPAD - N, DH), jnp.float32)
    x0 = jnp.stack([jnp.concatenate([weight[:, :DH], pad]),
                    jnp.concatenate([weight[:, DH:], pad])])

    degp = _deg_partial(idxc)
    x1 = _layer(x0, idxc, degp)
    x2 = _layer(x1, idxc, degp)
    x3 = _layer(x2, idxc, degp)
    m = _mean4(x0, x1, x2, x3)
    return jnp.concatenate([m[0], m[1]], axis=1)[:N]

# --- scband reference (transcript-rebuilt; emitter-appended) ---
"""Pipeline reference for scband-light-gcn-9380208574849 (READ-ONLY COPY).

The authoritative reference and input builder live on the scoring server;
editing this copy changes nothing except your own understanding.
"""

import jax, jax.numpy as jnp
import numpy as np

NUM_NODES = 50000
EMBED_DIM = 64
NUM_LAYERS = 3
NUM_EDGES = 800000


def setup_inputs(seed: int = 0) -> dict:
    key = jax.random.key(seed)
    k1, k2 = jax.random.split(key)
    edge_index = jax.random.randint(k1, (2, NUM_EDGES), 0, NUM_NODES, dtype=jnp.int64 if jax.config.jax_enable_x64 else jnp.int32).astype(jnp.int32)
    # Xavier-uniform init for embedding table [num_nodes, embedding_dim]
    limit = float(np.sqrt(6.0 / (NUM_NODES + EMBED_DIM)))
    weight = jax.random.uniform(k2, (NUM_NODES, EMBED_DIM), dtype=jnp.float32, minval=-limit, maxval=limit)
    return {"edge_index": edge_index, "weight": weight}


def reference(edge_index, weight):
    x = weight
    row = edge_index[0]
    col = edge_index[1]
    num_nodes = x.shape[0]
    deg = jnp.bincount(row, length=num_nodes).astype(jnp.float32)
    deg_inv_sqrt = jnp.where(deg > 0.0, jax.lax.rsqrt(jnp.maximum(deg, 1e-12)), 0.0)
    all_embeddings = [x]
    for _ in range(NUM_LAYERS):
        m = deg_inv_sqrt[row][:, None] * x[col]
        x = jnp.zeros_like(x).at[row].add(m)
        x = x * deg_inv_sqrt[:, None]
        all_embeddings.append(x)
    return jnp.mean(jnp.stack(all_embeddings, axis=0), axis=0)

if __name__ == "__main__":
    import jax
    _d = setup_inputs()
    print(jax.jit(kernel)(*tuple(_d.values())))

</pallas_src>

<mosaic_0001>
#map = affine_map<(d0, d1) -> (0, 0, 0)>
module attributes {stable_mosaic.version = 14 : i64} {
  func.func @k(%arg0: i32, %arg1: i32, %arg2: memref<1568x8x128xi32, #tpu.memory_space<hbm>>, %arg3: memref<2x50176x16xf32, #tpu.memory_space<hbm>>, %arg4: memref<50184x16xf32, #tpu.memory_space<vmem_shared>>, %arg5: memref<8x128xi32, #tpu.memory_space<vmem>>, %arg6: memref<8x128xi32, #tpu.memory_space<vmem>>, %arg7: memref<128x16xf32, #tpu.memory_space<vmem>>, %arg8: memref<112x16xf32, #tpu.memory_space<vmem>>, %arg9: memref<!tpu.dma_semaphore, #tpu.memory_space<semaphore_mem>>, %arg10: memref<!tpu.dma_semaphore, #tpu.memory_space<semaphore_mem>>, %arg11: memref<!tpu.dma_semaphore, #tpu.memory_space<semaphore_mem>>) attributes {dimension_semantics = [#tpu.dimension_semantics<core_parallel>, #tpu.dimension_semantics<subcore_parallel>], iteration_bounds = array<i64: 2, 16>, scalar_prefetch = 0 : i64, scratch_operands = 8 : i64, tpu.core_type = #tpu.core_type<sc_vector_subcore>, window_params = [{transform_indices = #map}, {transform_indices = #map}]} {
    %mul3A = arith.constant 98 : i32
    %mul3A_0 = arith.muli %arg1, %mul3A : i32
    %scan3A = arith.constant 0 : i32
    %scan3A_1 = arith.constant 128 : i32
    %scan3A_2 = arith.addi %scan3A, %scan3A_1 : i32
    %scan3A_3 = arith.constant 1 : i32
    scf.for %scan3A_44 = %scan3A to %scan3A_2 step %scan3A_3  : i32 {
      %mul3A_45 = arith.constant 1 : i32
      %mul3A_46 = arith.muli %scan3A_44, %mul3A_45 : i32
      %add3A_47 = arith.constant 0 : i32
      %add3A_48 = arith.addi %add3A_47, %mul3A_46 : i32
      %broadcast_in_dim3A = arith.constant 1.000000e+00 : f32
      %broadcast_in_dim3A_49 = vector.broadcast %broadcast_in_dim3A : f32 to vector<16xf32>
      %swap3A = arith.index_cast %add3A_48 : i32 to index
      %swap3A_50 = arith.constant 0 : index
      %swap3A_51 = tpu.vector_load %arg7[%swap3A, %swap3A_50] {strides = array<i32>} : memref<128x16xf32, #tpu.memory_space<vmem>>, vector<1x16xf32>,
      %swap3A_52 = vector.shape_cast %swap3A_51 : vector<1x16xf32> to vector<16xf32>
      %swap3A_53 = vector.shape_cast %broadcast_in_dim3A_49 : vector<16xf32> to vector<1x16xf32>
      tpu.vector_store %arg7[%swap3A, %swap3A_50], %swap3A_53 {strides = array<i32>} : memref<128x16xf32, #tpu.memory_space<vmem>>, vector<1x16xf32>,
    }
    %scan3A_4 = arith.constant 128 : i32
    %scan3A_5 = arith.constant 0 : i32
    %scan3A_6 = arith.constant 112 : i32
    %scan3A_7 = arith.addi %scan3A_5, %scan3A_6 : i32
    %scan3A_8 = arith.constant 1 : i32
    scf.for %scan3A_44 = %scan3A_5 to %scan3A_7 step %scan3A_8  : i32 {
      %mul3A_45 = arith.constant 1 : i32
      %mul3A_46 = arith.muli %scan3A_44, %mul3A_45 : i32
      %add3A_47 = arith.constant 0 : i32
      %add3A_48 = arith.addi %add3A_47, %mul3A_46 : i32
      %broadcast_in_dim3A = arith.constant 0.000000e+00 : f32
      %broadcast_in_dim3A_49 = vector.broadcast %broadcast_in_dim3A : f32 to vector<16xf32>
      %swap3A = arith.index_cast %add3A_48 : i32 to index
      %swap3A_50 = arith.constant 0 : index
      %swap3A_51 = tpu.vector_load %arg8[%swap3A, %swap3A_50] {strides = array<i32>} : memref<112x16xf32, #tpu.memory_space<vmem>>, vector<1x16xf32>,
      %swap3A_52 = vector.shape_cast %swap3A_51 : vector<1x16xf32> to vector<16xf32>
      %swap3A_53 = vector.shape_cast %broadcast_in_dim3A_49 : vector<16xf32> to vector<1x16xf32>
      tpu.vector_store %arg8[%swap3A, %swap3A_50], %swap3A_53 {strides = array<i32>} : memref<112x16xf32, #tpu.memory_space<vmem>>, vector<1x16xf32>,
    }
    %scan3A_9 = arith.constant 112 : i32
    %scan3A_10 = arith.constant 0 : i32
    %scan3A_11 = arith.constant 28 : i32
    %scan3A_12 = arith.addi %scan3A_10, %scan3A_11 : i32
    %scan3A_13 = arith.constant 1 : i32
    scf.for %scan3A_44 = %scan3A_10 to %scan3A_12 step %scan3A_13  : i32 {
      %mul3A_45 = arith.constant 1 : i32
      %mul3A_46 = arith.muli %scan3A_44, %mul3A_45 : i32
      %add3A_47 = arith.constant 0 : i32
      %add3A_48 = arith.addi %add3A_47, %mul3A_46 : i32
      %mul3A_49 = arith.constant 3136 : i32
      %mul3A_50 = arith.muli %arg1, %mul3A_49 : i32
      %mul3A_51 = arith.constant 112 : i32
      %mul3A_52 = arith.muli %add3A_48, %mul3A_51 : i32
      %add3A_53 = arith.addi %mul3A_50, %mul3A_52 : i32
      %dma_start3A_54 = arith.constant 0 : i32
      %dma_start3A_55 = tpu.memref_slice %arg4[%add3A_53, %dma_start3A_54] : memref<50184x16xf32, #tpu.memory_space<vmem_shared>> -> memref<112x16xf32, #tpu.memory_space<vmem_shared>>
      %dma_start3A_56 = arith.constant 0 : i32
      %dma_start3A_57 = tpu.memref_slice %arg4[%add3A_53, %dma_start3A_56] : memref<50184x16xf32, #tpu.memory_space<vmem_shared>> -> memref<112x16xf32, #tpu.memory_space<vmem_shared>>
      tpu.enqueue_dma source(%arg8 : memref<112x16xf32, #tpu.memory_space<vmem>>) target(%dma_start3A_57 : memref<112x16xf32, #tpu.memory_space<vmem_shared>>) target_semaphore(%arg11 : memref<!tpu.dma_semaphore, #tpu.memory_space<semaphore_mem>>)
    }
    %scan3A_14 = arith.constant 28 : i32
    %scan3A_15 = arith.constant 0 : i32
    %scan3A_16 = arith.constant 28 : i32
    %scan3A_17 = arith.addi %scan3A_15, %scan3A_16 : i32
    %scan3A_18 = arith.constant 1 : i32
    scf.for %scan3A_44 = %scan3A_15 to %scan3A_17 step %scan3A_18  : i32 {
      %mul3A_45 = arith.constant 1 : i32
      %mul3A_46 = arith.muli %scan3A_44, %mul3A_45 : i32
      %add3A_47 = arith.constant 0 : i32
      %add3A_48 = arith.addi %add3A_47, %mul3A_46 : i32
      %mul3A_49 = arith.constant 3136 : i32
      %mul3A_50 = arith.muli %arg1, %mul3A_49 : i32
      %mul3A_51 = arith.constant 112 : i32
      %mul3A_52 = arith.muli %add3A_48, %mul3A_51 : i32
      %add3A_53 = arith.addi %mul3A_50, %mul3A_52 : i32
      %dma_wait3A = arith.constant 0 : i32
      %dma_wait3A_54 = tpu.memref_slice %arg4[%add3A_53, %dma_wait3A] : memref<50184x16xf32, #tpu.memory_space<vmem_shared>> -> memref<112x16xf32, #tpu.memory_space<vmem_shared>>
      %dma_wait3A_55 = arith.constant 0 : i32
      %dma_wait3A_56 = tpu.memref_slice %arg4[%add3A_53, %dma_wait3A_55] : memref<50184x16xf32, #tpu.memory_space<vmem_shared>> -> memref<112x16xf32, #tpu.memory_space<vmem_shared>>
      tpu.wait_dma2 semaphore(%arg11 : memref<!tpu.dma_semaphore, #tpu.memory_space<semaphore_mem>>) src(%arg8 : memref<112x16xf32, #tpu.memory_space<vmem>>) dst(%dma_wait3A_56 : memref<112x16xf32, #tpu.memory_space<vmem_shared>>)
    }
    %scan3A_19 = arith.constant 28 : i32
    %barrier3A = arith.constant 0 : index
    tpu.barrier barrier_id(%barrier3A)
    %dma_start3A = arith.constant 0 : i32
    %dma_start3A_20 = arith.constant 0 : i32
    %dma_start3A_21 = tpu.memref_slice %arg2[%mul3A_0, %dma_start3A, %dma_start3A_20] : memref<1568x8x128xi32, #tpu.memory_space<hbm>> -> memref<1x8x128xi32, #tpu.memory_space<hbm>>
    %dma_start3A_22 = tpu.memref_squeeze %dma_start3A_21 : memref<1x8x128xi32, #tpu.memory_space<hbm>> -> memref<8x128xi32, #tpu.memory_space<hbm>>
    %dma_start3A_23 = arith.constant 0 : i32
    %dma_start3A_24 = arith.constant 0 : i32
    %dma_start3A_25 = tpu.memref_slice %arg2[%mul3A_0, %dma_start3A_23, %dma_start3A_24] : memref<1568x8x128xi32, #tpu.memory_space<hbm>> -> memref<1x8x128xi32, #tpu.memory_space<hbm>>
    %dma_start3A_26 = tpu.memref_squeeze %dma_start3A_25 : memref<1x8x128xi32, #tpu.memory_space<hbm>> -> memref<8x128xi32, #tpu.memory_space<hbm>>
    tpu.enqueue_dma source(%dma_start3A_26 : memref<8x128xi32, #tpu.memory_space<hbm>>) target(%arg5 : memref<8x128xi32, #tpu.memory_space<vmem>>) target_semaphore(%arg9 : memref<!tpu.dma_semaphore, #tpu.memory_space<semaphore_mem>>)
    %add3A = arith.constant 1 : i32
    %add3A_27 = arith.addi %mul3A_0, %add3A : i32
    %dma_start3A_28 = arith.constant 0 : i32
    %dma_start3A_29 = arith.constant 0 : i32
    %dma_start3A_30 = tpu.memref_slice %arg2[%add3A_27, %dma_start3A_28, %dma_start3A_29] : memref<1568x8x128xi32, #tpu.memory_space<hbm>> -> memref<1x8x128xi32, #tpu.memory_space<hbm>>
    %dma_start3A_31 = tpu.memref_squeeze %dma_start3A_30 : memref<1x8x128xi32, #tpu.memory_space<hbm>> -> memref<8x128xi32, #tpu.memory_space<hbm>>
    %dma_start3A_32 = arith.constant 0 : i32
    %dma_start3A_33 = arith.constant 0 : i32
    %dma_start3A_34 = tpu.memref_slice %arg2[%add3A_27, %dma_start3A_32, %dma_start3A_33] : memref<1568x8x128xi32, #tpu.memory_space<hbm>> -> memref<1x8x128xi32, #tpu.memory_space<hbm>>
    %dma_start3A_35 = tpu.memref_squeeze %dma_start3A_34 : memref<1x8x128xi32, #tpu.memory_space<hbm>> -> memref<8x128xi32, #tpu.memory_space<hbm>>
    tpu.enqueue_dma source(%dma_start3A_35 : memref<8x128xi32, #tpu.memory_space<hbm>>) target(%arg6 : memref<8x128xi32, #tpu.memory_space<vmem>>) target_semaphore(%arg10 : memref<!tpu.dma_semaphore, #tpu.memory_space<semaphore_mem>>)
    %scan3A_36 = arith.constant 0 : i32
    %scan3A_37 = arith.constant 49 : i32
    %scan3A_38 = arith.addi %scan3A_36, %scan3A_37 : i32
    %scan3A_39 = arith.constant 1 : i32
    scf.for %scan3A_44 = %scan3A_36 to %scan3A_38 step %scan3A_39  : i32 {
      %mul3A_45 = arith.constant 1 : i32
      %mul3A_46 = arith.muli %scan3A_44, %mul3A_45 : i32
      %add3A_47 = arith.constant 0 : i32
      %add3A_48 = arith.addi %add3A_47, %mul3A_46 : i32
      %mul3A_49 = arith.constant 2 : i32
      %mul3A_50 = arith.muli %mul3A_49, %add3A_48 : i32
      %add3A_51 = arith.addi %mul3A_0, %mul3A_50 : i32
      %dma_wait3A = arith.constant 0 : i32
      %dma_wait3A_52 = arith.constant 0 : i32
      %dma_wait3A_53 = tpu.memref_slice %arg2[%mul3A_0, %dma_wait3A, %dma_wait3A_52] : memref<1568x8x128xi32, #tpu.memory_space<hbm>> -> memref<1x8x128xi32, #tpu.memory_space<hbm>>
      %dma_wait3A_54 = tpu.memref_squeeze %dma_wait3A_53 : memref<1x8x128xi32, #tpu.memory_space<hbm>> -> memref<8x128xi32, #tpu.memory_space<hbm>>
      %dma_wait3A_55 = arith.constant 0 : i32
      %dma_wait3A_56 = arith.constant 0 : i32
      %dma_wait3A_57 = tpu.memref_slice %arg2[%mul3A_0, %dma_wait3A_55, %dma_wait3A_56] : memref<1568x8x128xi32, #tpu.memory_space<hbm>> -> memref<1x8x128xi32, #tpu.memory_space<hbm>>
      %dma_wait3A_58 = tpu.memref_squeeze %dma_wait3A_57 : memref<1x8x128xi32, #tpu.memory_space<hbm>> -> memref<8x128xi32, #tpu.memory_space<hbm>>
      tpu.wait_dma2 semaphore(%arg9 : memref<!tpu.dma_semaphore, #tpu.memory_space<semaphore_mem>>) src(%dma_wait3A_58 : memref<8x128xi32, #tpu.memory_space<hbm>>) dst(%arg5 : memref<8x128xi32, #tpu.memory_space<vmem>>)
      %mul3A_59 = arith.constant 2 : i32
      %mul3A_60 = arith.muli %mul3A_59, %arg0 : i32
      %add3A_61 = arith.constant 0 : i32
      %add3A_62 = arith.addi %mul3A_60, %add3A_61 : i32
      %dma_start3A_63 = arith.constant 0 : i32
      %dma_start3A_64 = tpu.memref_slice %arg5[%add3A_62, %dma_start3A_63] : memref<8x128xi32, #tpu.memory_space<vmem>> -> memref<1x128xi32, #tpu.memory_space<vmem>>
      %dma_start3A_65 = tpu.memref_squeeze %dma_start3A_64 : memref<1x128xi32, #tpu.memory_space<vmem>> -> memref<128xi32, #tpu.memory_space<vmem>>
      %dma_start3A_66 = arith.constant 0 : i32
      %dma_start3A_67 = arith.constant 0 : i32
      %dma_start3A_68 = tpu.memref_slice %arg4[%dma_start3A_66, %dma_start3A_67] : memref<50184x16xf32, #tpu.memory_space<vmem_shared>> -> memref<50184x16xf32, #tpu.memory_space<vmem_shared>>
      tpu.enqueue_indirect_dma source(%arg7 : memref<128x16xf32, #tpu.memory_space<vmem>>) target(%dma_start3A_68 : memref<50184x16xf32, #tpu.memory_space<vmem_shared>>) offsets(%dma_start3A_65 : memref<128xi32, #tpu.memory_space<vmem>>) semaphore(%arg11 : memref<!tpu.dma_semaphore, #tpu.memory_space<semaphore_mem>>) {add = true}
      %mul3A_69 = arith.constant 2 : i32
      %mul3A_70 = arith.muli %mul3A_69, %arg0 : i32
      %add3A_71 = arith.constant 1 : i32
      %add3A_72 = arith.addi %mul3A_70, %add3A_71 : i32
      %dma_start3A_73 = arith.constant 0 : i32
      %dma_start3A_74 = tpu.memref_slice %arg5[%add3A_72, %dma_start3A_73] : memref<8x128xi32, #tpu.memory_space<vmem>> -> memref<1x128xi32, #tpu.memory_space<vmem>>
      %dma_start3A_75 = tpu.memref_squeeze %dma_start3A_74 : memref<1x128xi32, #tpu.memory_space<vmem>> -> memref<128xi32, #tpu.memory_space<vmem>>
      %dma_start3A_76 = arith.constant 0 : i32
      %dma_start3A_77 = arith.constant 0 : i32
      %dma_start3A_78 = tpu.memref_slice %arg4[%dma_start3A_76, %dma_start3A_77] : memref<50184x16xf32, #tpu.memory_space<vmem_shared>> -> memref<50184x16xf32, #tpu.memory_space<vmem_shared>>
      tpu.enqueue_indirect_dma source(%arg7 : memref<128x16xf32, #tpu.memory_space<vmem>>) target(%dma_start3A_78 : memref<50184x16xf32, #tpu.memory_space<vmem_shared>>) offsets(%dma_start3A_75 : memref<128xi32, #tpu.memory_space<vmem>>) semaphore(%arg11 : memref<!tpu.dma_semaphore, #tpu.memory_space<semaphore_mem>>) {add = true}
      %dma_wait3A_79 = arith.constant 0 : i32
      %dma_wait3A_80 = tpu.memref_slice %arg5[%add3A_62, %dma_wait3A_79] : memref<8x128xi32, #tpu.memory_space<vmem>> -> memref<1x128xi32, #tpu.memory_space<vmem>>
      %dma_wait3A_81 = tpu.memref_squeeze %dma_wait3A_80 : memref<1x128xi32, #tpu.memory_space<vmem>> -> memref<128xi32, #tpu.memory_space<vmem>>
      %dma_wait3A_82 = arith.constant 0 : i32
      %dma_wait3A_83 = arith.constant 0 : i32
      %dma_wait3A_84 = tpu.memref_slice %arg4[%dma_wait3A_82, %dma_wait3A_83] : memref<50184x16xf32, #tpu.memory_space<vmem_shared>> -> memref<50184x16xf32, #tpu.memory_space<vmem_shared>>
      tpu.wait_indirect_dma semaphore(%arg11 : memref<!tpu.dma_semaphore, #tpu.memory_space<semaphore_mem>>) src(%arg7 : memref<128x16xf32, #tpu.memory_space<vmem>>) dst(%dma_wait3A_84 : memref<50184x16xf32, #tpu.memory_space<vmem_shared>>)
      %dma_wait3A_85 = arith.constant 0 : i32
      %dma_wait3A_86 = tpu.memref_slice %arg5[%add3A_72, %dma_wait3A_85] : memref<8x128xi32, #tpu.memory_space<vmem>> -> memref<1x128xi32, #tpu.memory_space<vmem>>
      %dma_wait3A_87 = tpu.memref_squeeze %dma_wait3A_86 : memref<1x128xi32, #tpu.memory_space<vmem>> -> memref<128xi32, #tpu.memory_space<vmem>>
      %dma_wait3A_88 = arith.constant 0 : i32
      %dma_wait3A_89 = arith.constant 0 : i32
      %dma_wait3A_90 = tpu.memref_slice %arg4[%dma_wait3A_88, %dma_wait3A_89] : memref<50184x16xf32, #tpu.memory_space<vmem_shared>> -> memref<50184x16xf32, #tpu.memory_space<vmem_shared>>
      tpu.wait_indirect_dma semaphore(%arg11 : memref<!tpu.dma_semaphore, #tpu.memory_space<semaphore_mem>>) src(%arg7 : memref<128x16xf32, #tpu.memory_space<vmem>>) dst(%dma_wait3A_90 : memref<50184x16xf32, #tpu.memory_space<vmem_shared>>)
      %lt3A = arith.constant 48 : i32
      %lt3A_91 = arith.cmpi slt, %add3A_48, %lt3A : i32
      %convert_element_type3A = arith.extui %lt3A_91 : i1 to i32
      %cond3A = arith.constant 0 : i32
      %cond3A_92 = arith.cmpi ne, %convert_element_type3A, %cond3A : i32
      scf.if %cond3A_92 {
        %add3A_138 = arith.constant 2 : i32
        %add3A_139 = arith.addi %add3A_51, %add3A_138 : i32
        %dma_start3A_140 = arith.constant 0 : i32
        %dma_start3A_141 = arith.constant 0 : i32
        %dma_start3A_142 = tpu.memref_slice %arg2[%add3A_139, %dma_start3A_140, %dma_start3A_141] : memref<1568x8x128xi32, #tpu.memory_space<hbm>> -> memref<1x8x128xi32, #tpu.memory_space<hbm>>
        %dma_start3A_143 = tpu.memref_squeeze %dma_start3A_142 : memref<1x8x128xi32, #tpu.memory_space<hbm>> -> memref<8x128xi32, #tpu.memory_space<hbm>>
        %dma_start3A_144 = arith.constant 0 : i32
        %dma_start3A_145 = arith.constant 0 : i32
        %dma_start3A_146 = tpu.memref_slice %arg2[%add3A_139, %dma_start3A_144, %dma_start3A_145] : memref<1568x8x128xi32, #tpu.memory_space<hbm>> -> memref<1x8x128xi32, #tpu.memory_space<hbm>>
        %dma_start3A_147 = tpu.memref_squeeze %dma_start3A_146 : memref<1x8x128xi32, #tpu.memory_space<hbm>> -> memref<8x128xi32, #tpu.memory_space<hbm>>
        tpu.enqueue_dma source(%dma_start3A_147 : memref<8x128xi32, #tpu.memory_space<hbm>>) target(%arg5 : memref<8x128xi32, #tpu.memory_space<vmem>>) target_semaphore(%arg9 : memref<!tpu.dma_semaphore, #tpu.memory_space<semaphore_mem>>)
      } else {
      }
      %dma_wait3A_93 = arith.constant 0 : i32
      %dma_wait3A_94 = arith.constant 0 : i32
      %dma_wait3A_95 = tpu.memref_slice %arg2[%mul3A_0, %dma_wait3A_93, %dma_wait3A_94] : memref<1568x8x128xi32, #tpu.memory_space<hbm>> -> memref<1x8x128xi32, #tpu.memory_space<hbm>>
      %dma_wait3A_96 = tpu.memref_squeeze %dma_wait3A_95 : memref<1x8x128xi32, #tpu.memory_space<hbm>> -> memref<8x128xi32, #tpu.memory_space<hbm>>
      %dma_wait3A_97 = arith.constant 0 : i32
      %dma_wait3A_98 = arith.constant 0 : i32
      %dma_wait3A_99 = tpu.memref_slice %arg2[%mul3A_0, %dma_wait3A_97, %dma_wait3A_98] : memref<1568x8x128xi32, #tpu.memory_space<hbm>> -> memref<1x8x128xi32, #tpu.memory_space<hbm>>
      %dma_wait3A_100 = tpu.memref_squeeze %dma_wait3A_99 : memref<1x8x128xi32, #tpu.memory_space<hbm>> -> memref<8x128xi32, #tpu.memory_space<hbm>>
      tpu.wait_dma2 semaphore(%arg10 : memref<!tpu.dma_semaphore, #tpu.memory_space<semaphore_mem>>) src(%dma_wait3A_100 : memref<8x128xi32, #tpu.memory_space<hbm>>) dst(%arg6 : memref<8x128xi32, #tpu.memory_space<vmem>>)
      %mul3A_101 = arith.constant 2 : i32
      %mul3A_102 = arith.muli %mul3A_101, %arg0 : i32
      %add3A_103 = arith.constant 0 : i32
      %add3A_104 = arith.addi %mul3A_102, %add3A_103 : i32
      %dma_start3A_105 = arith.constant 0 : i32
      %dma_start3A_106 = tpu.memref_slice %arg6[%add3A_104, %dma_start3A_105] : memref<8x128xi32, #tpu.memory_space<vmem>> -> memref<1x128xi32, #tpu.memory_space<vmem>>
      %dma_start3A_107 = tpu.memref_squeeze %dma_start3A_106 : memref<1x128xi32, #tpu.memory_space<vmem>> -> memref<128xi32, #tpu.memory_space<vmem>>
      %dma_start3A_108 = arith.constant 0 : i32
      %dma_start3A_109 = arith.constant 0 : i32
      %dma_start3A_110 = tpu.memref_slice %arg4[%dma_start3A_108, %dma_start3A_109] : memref<50184x16xf32, #tpu.memory_space<vmem_shared>> -> memref<50184x16xf32, #tpu.memory_space<vmem_shared>>
      tpu.enqueue_indirect_dma source(%arg7 : memref<128x16xf32, #tpu.memory_space<vmem>>) target(%dma_start3A_110 : memref<50184x16xf32, #tpu.memory_space<vmem_shared>>) offsets(%dma_start3A_107 : memref<128xi32, #tpu.memory_space<vmem>>) semaphore(%arg11 : memref<!tpu.dma_semaphore, #tpu.memory_space<semaphore_mem>>) {add = true}
      %mul3A_111 = arith.constant 2 : i32
      %mul3A_112 = arith.muli %mul3A_111, %arg0 : i32
      %add3A_113 = arith.constant 1 : i32
      %add3A_114 = arith.addi %mul3A_112, %add3A_113 : i32
      %dma_start3A_115 = arith.constant 0 : i32
      %dma_start3A_116 = tpu.memref_slice %arg6[%add3A_114, %dma_start3A_115] : memref<8x128xi32, #tpu.memory_space<vmem>> -> memref<1x128xi32, #tpu.memory_space<vmem>>
      %dma_start3A_117 = tpu.memref_squeeze %dma_start3A_116 : memref<1x128xi32, #tpu.memory_space<vmem>> -> memref<128xi32, #tpu.memory_space<vmem>>
      %dma_start3A_118 = arith.constant 0 : i32
      %dma_start3A_119 = arith.constant 0 : i32
      %dma_start3A_120 = tpu.memref_slice %arg4[%dma_start3A_118, %dma_start3A_119] : memref<50184x16xf32, #tpu.memory_space<vmem_shared>> -> memref<50184x16xf32, #tpu.memory_space<vmem_shared>>
      tpu.enqueue_indirect_dma source(%arg7 : memref<128x16xf32, #tpu.memory_space<vmem>>) target(%dma_start3A_120 : memref<50184x16xf32, #tpu.memory_space<vmem_shared>>) offsets(%dma_start3A_117 : memref<128xi32, #tpu.memory_space<vmem>>) semaphore(%arg11 : memref<!tpu.dma_semaphore, #tpu.memory_space<semaphore_mem>>) {add = true}
      %dma_wait3A_121 = arith.constant 0 : i32
      %dma_wait3A_122 = tpu.memref_slice %arg6[%add3A_104, %dma_wait3A_121] : memref<8x128xi32, #tpu.memory_space<vmem>> -> memref<1x128xi32, #tpu.memory_space<vmem>>
      %dma_wait3A_123 = tpu.memref_squeeze %dma_wait3A_122 : memref<1x128xi32, #tpu.memory_space<vmem>> -> memref<128xi32, #tpu.memory_space<vmem>>
      %dma_wait3A_124 = arith.constant 0 : i32
      %dma_wait3A_125 = arith.constant 0 : i32
      %dma_wait3A_126 = tpu.memref_slice %arg4[%dma_wait3A_124, %dma_wait3A_125] : memref<50184x16xf32, #tpu.memory_space<vmem_shared>> -> memref<50184x16xf32, #tpu.memory_space<vmem_shared>>
      tpu.wait_indirect_dma semaphore(%arg11 : memref<!tpu.dma_semaphore, #tpu.memory_space<semaphore_mem>>) src(%arg7 : memref<128x16xf32, #tpu.memory_space<vmem>>) dst(%dma_wait3A_126 : memref<50184x16xf32, #tpu.memory_space<vmem_shared>>)
      %dma_wait3A_127 = arith.constant 0 : i32
      %dma_wait3A_128 = tpu.memref_slice %arg6[%add3A_114, %dma_wait3A_127] : memref<8x128xi32, #tpu.memory_space<vmem>> -> memref<1x128xi32, #tpu.memory_space<vmem>>
      %dma_wait3A_129 = tpu.memref_squeeze %dma_wait3A_128 : memref<1x128xi32, #tpu.memory_space<vmem>> -> memref<128xi32, #tpu.memory_space<vmem>>
      %dma_wait3A_130 = arith.constant 0 : i32
      %dma_wait3A_131 = arith.constant 0 : i32
      %dma_wait3A_132 = tpu.memref_slice %arg4[%dma_wait3A_130, %dma_wait3A_131] : memref<50184x16xf32, #tpu.memory_space<vmem_shared>> -> memref<50184x16xf32, #tpu.memory_space<vmem_shared>>
      tpu.wait_indirect_dma semaphore(%arg11 : memref<!tpu.dma_semaphore, #tpu.memory_space<semaphore_mem>>) src(%arg7 : memref<128x16xf32, #tpu.memory_space<vmem>>) dst(%dma_wait3A_132 : memref<50184x16xf32, #tpu.memory_space<vmem_shared>>)
      %lt3A_133 = arith.constant 48 : i32
      %lt3A_134 = arith.cmpi slt, %add3A_48, %lt3A_133 : i32
      %convert_element_type3A_135 = arith.extui %lt3A_134 : i1 to i32
      %cond3A_136 = arith.constant 0 : i32
      %cond3A_137 = arith.cmpi ne, %convert_element_type3A_135, %cond3A_136 : i32
      scf.if %cond3A_137 {
        %add3A_138 = arith.constant 3 : i32
        %add3A_139 = arith.addi %add3A_51, %add3A_138 : i32
        %dma_start3A_140 = arith.constant 0 : i32
        %dma_start3A_141 = arith.constant 0 : i32
        %dma_start3A_142 = tpu.memref_slice %arg2[%add3A_139, %dma_start3A_140, %dma_start3A_141] : memref<1568x8x128xi32, #tpu.memory_space<hbm>> -> memref<1x8x128xi32, #tpu.memory_space<hbm>>
        %dma_start3A_143 = tpu.memref_squeeze %dma_start3A_142 : memref<1x8x128xi32, #tpu.memory_space<hbm>> -> memref<8x128xi32, #tpu.memory_space<hbm>>
        %dma_start3A_144 = arith.constant 0 : i32
        %dma_start3A_145 = arith.constant 0 : i32
        %dma_start3A_146 = tpu.memref_slice %arg2[%add3A_139, %dma_start3A_144, %dma_start3A_145] : memref<1568x8x128xi32, #tpu.memory_space<hbm>> -> memref<1x8x128xi32, #tpu.memory_space<hbm>>
        %dma_start3A_147 = tpu.memref_squeeze %dma_start3A_146 : memref<1x8x128xi32, #tpu.memory_space<hbm>> -> memref<8x128xi32, #tpu.memory_space<hbm>>
        tpu.enqueue_dma source(%dma_start3A_147 : memref<8x128xi32, #tpu.memory_space<hbm>>) target(%arg6 : memref<8x128xi32, #tpu.memory_space<vmem>>) target_semaphore(%arg10 : memref<!tpu.dma_semaphore, #tpu.memory_space<semaphore_mem>>)
      } else {
      }
    }
    %scan3A_40 = arith.constant 49 : i32
    %barrier3A_41 = arith.constant 0 : index
    tpu.barrier barrier_id(%barrier3A_41)
    %mul3A_42 = arith.constant 3136 : i32
    %mul3A_43 = arith.muli %arg1, %mul3A_42 : i32
    "tpu.region"() ({
      %run_scoped3A = tpu.sem_alloc : memref<!tpu.dma_semaphore, #tpu.memory_space<semaphore_mem>>
      %dma_start3A_44 = arith.constant 0 : i32
      %dma_start3A_45 = arith.constant 0 : i32
      %dma_start3A_46 = tpu.memref_slice %arg3[%arg0, %dma_start3A_44, %dma_start3A_45] : memref<2x50176x16xf32, #tpu.memory_space<hbm>> -> memref<1x50176x16xf32, #tpu.memory_space<hbm>>
      %dma_start3A_47 = tpu.memref_squeeze %dma_start3A_46 : memref<1x50176x16xf32, #tpu.memory_space<hbm>> -> memref<50176x16xf32, #tpu.memory_space<hbm>>
      %dma_start3A_48 = arith.constant 0 : i32
      %dma_start3A_49 = tpu.memref_slice %dma_start3A_47[%mul3A_43, %dma_start3A_48] : memref<50176x16xf32, #tpu.memory_space<hbm>> -> memref<3136x16xf32, #tpu.memory_space<hbm>>
      %dma_start3A_50 = arith.constant 0 : i32
      %dma_start3A_51 = tpu.memref_slice %arg4[%mul3A_43, %dma_start3A_50] : memref<50184x16xf32, #tpu.memory_space<vmem_shared>> -> memref<3136x16xf32, #tpu.memory_space<vmem_shared>>
      tpu.enqueue_dma source(%dma_start3A_51 : memref<3136x16xf32, #tpu.memory_space<vmem_shared>>) target(%dma_start3A_49 : memref<3136x16xf32, #tpu.memory_space<hbm>>) target_semaphore(%run_scoped3A : memref<!tpu.dma_semaphore, #tpu.memory_space<semaphore_mem>>)
      %dma_wait3A = arith.constant 0 : i32
      %dma_wait3A_52 = arith.constant 0 : i32
      %dma_wait3A_53 = tpu.memref_slice %arg3[%arg0, %dma_wait3A, %dma_wait3A_52] : memref<2x50176x16xf32, #tpu.memory_space<hbm>> -> memref<1x50176x16xf32, #tpu.memory_space<hbm>>
      %dma_wait3A_54 = tpu.memref_squeeze %dma_wait3A_53 : memref<1x50176x16xf32, #tpu.memory_space<hbm>> -> memref<50176x16xf32, #tpu.memory_space<hbm>>
      %dma_wait3A_55 = arith.constant 0 : i32
      %dma_wait3A_56 = tpu.memref_slice %dma_wait3A_54[%mul3A_43, %dma_wait3A_55] : memref<50176x16xf32, #tpu.memory_space<hbm>> -> memref<3136x16xf32, #tpu.memory_space<hbm>>
      %dma_wait3A_57 = arith.constant 0 : i32
      %dma_wait3A_58 = tpu.memref_slice %arg4[%mul3A_43, %dma_wait3A_57] : memref<50184x16xf32, #tpu.memory_space<vmem_shared>> -> memref<3136x16xf32, #tpu.memory_space<vmem_shared>>
      tpu.wait_dma2 semaphore(%run_scoped3A : memref<!tpu.dma_semaphore, #tpu.memory_space<semaphore_mem>>) src(%dma_wait3A_58 : memref<3136x16xf32, #tpu.memory_space<vmem_shared>>) dst(%dma_wait3A_56 : memref<3136x16xf32, #tpu.memory_space<hbm>>)
      tpu.yield
    }) : () -> ()
    return
  }
}

</mosaic_0001>

<sc_bundles>
// kernel: _deg_partial.3.cloned.1.call-start
scs
__scs_entry_jumppad:
0x0: {  	(pc) =	sbr.rel $0x88, $3  }
0x1: {  	(tag) =	ssettag $0x0;
	lr =	simm.s32 $0x1  }
0x2: {  	[smem:$0x3FA0] =	sst lr;
	_ =	strace $0xD0000000  }
0x3: {  	_ = 	snop  }
0x4: {  	_ = 	snop  }
0x5: {  	_ = 	snop  }
0x6: {  	_ = 	snop  }
0x7: {  	_ = 	snop  }
__scs_overlays_trampoline_lowered:
0x8: {  	[smem:$0x3FAF] =	sst s0  }
0x9: {  	[smem:$0x3FB0] =	sst s1  }
0xa: {  	[smem:$0x3FB1] =	sst s2  }
0xb: {  	[smem:$0x3FB2] =	sst s3  }
0xc: {  	[smem:$0x3FB3] =	sst s4  }
0xd: {  	[smem:$0x3FB4] =	sst s5  }
0xe: {  	[smem:$0x3FB5] =	sst s6  }
0xf: {  	[smem:$0x3FB6] =	sst s7  }
0x10: {  	[smem:$0x3FB7] =	sst s8  }
0x11: {  	[smem:$0x3FB8] =	sst s9;
	s0 =	simm.s32 @!p0 $0x0  }
0x12: {  	s1 =	sld [smem:$0x3F9E];
	s0 =	simm.s32 @p0 $0x1  }
0x13: {  	[smem:$0x3FB9] =	sst s0;
	s0 =	simm.s32 @!p1 $0x0  }
0x14: {  	s2 =	sld [smem:$0x3F9D];
	s0 =	simm.s32 @p1 $0x1  }
0x15: {  	[smem:$0x3FBA] =	sst s0;
	s0 =	simm.s32 @!p2 $0x0  }
0x16: {  	s3 =	sld [smem:$0x3FDB];
	s0 =	simm.s32 @p2 $0x1  }
0x17: {  	s4 =	simm.s32 $0x1BF5;
	[smem:$0x3FBC] =	sst s0  }
0x18: {  	s0 =	sld [smem:$0x3F9F];
	_ =	swait.ge [sflag:s4], $0x0  }
0x19: {  	s7 =	sld [smem:$0x3FA0]  }
0x1a: {  	s8 =	sadd.s32 $0xFFFFE003, lr  }
0x1b: {  	s9 =	sadd.s32 $0xFFFFFEF7, lr;
	s5 =	simm.s32 $0xFFFFFFFF;
	p2 =	slt.u32 s8, $0xFFFFF086  }
0x1c: {  	p1 =	slt.u32 s9, $0xF7A;
	s5 =	simm.s32 @!p2 $0x0  }
0x1d: {  	s5 =	simm.s32 @p1 $0x1;
	p0 =	seq.s32 s7, s2  }
0x1e: {  	s7 =	smul.u32 @!p0 $0xF7A, s2;
	p2 =	seq.s32 @!p0 s5, $0x0  }
0x1f: {  	s9 =	smul.u32 $0xF7A, s1;
	s8 =	simm.s32 @!p0 $0x1BF5;
	p2 =	por !p2, p0  }
0x20: {  	[sflag:s8] =	ssyncset.s32 @!p0 $0xFFFFF086;
	s6 =	sadd.s32 @!p0 s3, s7;
	s7 =	simm.s32 @!p0 $0x108  }
0x21: {  	s3 =	sadd.s32 s3, s9;
	s6 =	sadd.s32 @!p0 $0x88, s6;
	s7 =	simm.s32 @p2 $0x1082  }
0x22: {  	[simem:s7], [sflag:s8] =	dma.local @!p0 [hbm:s6], $0xF7A  }
0x23: {  	s9 =	sor.u32 $0xD0000000, s2;
	s6 =	simm.s32 $0x108;
	_ =	swait.ge @!p0 [sflag:s8], $0x0  }
0x24: {  	s3 =	sadd.s32 $0x88, s3;
	s6 =	simm.s32 @!p1 $0x1082;
	[sflag:s4] =	ssyncset.s32 $0xFFFFF086  }
0x25: {  	[simem:s6], [sflag:s4] =	dma.local [hbm:s3], $0xF7A  }
0x26: {  	[smem:$0x3FA0] =	sst s1;
	(tag) =	ssettag s2;
	_ =	strace s9  }
0x27: {  	s1 =	sld [smem:$0x3FB0]  }
0x28: {  	s2 =	sld [smem:$0x3FB1]  }
0x29: {  	s4 =	sld [smem:$0x3FB3]  }
0x2a: {  	p0 =	seq.s32 s5, $0x0;
	s5 =	sld [smem:$0x3FB4]  }
0x2b: {  	s6 =	sld [smem:$0x3FB5]  }
0x2c: {  	s7 =	sld [smem:$0x3FB6]  }
0x2d: {  	s3 =	simm.s32 $0x108;
	s8 =	sld [smem:$0x3FB7]  }
0x2e: {  	s3 =	simm.s32 @!p0 $0x1082;
	s9 =	sld [smem:$0x3FB8]  }
0x2f: {  	lr =	sadd.s32 s0, s3;
	s0 =	sld [smem:$0x3FAF]  }
0x30: {  	s3 =	sld [smem:$0x3FB2]  }
0x31: {  	[smem:$0x3FBB] =	sst s10  }
0x32: {  	s10 =	sld [smem:$0x3FB9];
	_ =	sdelay $0x3  }
0x33: {  	p0 =	seq.s32 s10, $0x1;
	s10 =	sld [smem:$0x3FBB];
	_ =	sdelay $0x3  }
0x34: {  	[smem:$0x3FBB] =	sst s10  }
0x35: {  	s10 =	sld [smem:$0x3FBA];
	_ =	sdelay $0x3  }
0x36: {  	p1 =	seq.s32 s10, $0x1;
	s10 =	sld [smem:$0x3FBB];
	_ =	sdelay $0x3  }
0x37: {  	[smem:$0x3FBB] =	sst s10  }
0x38: {  	s10 =	sld [smem:$0x3FBC]  }
0x39: {  	_ = 	snop;
	(pc) =	sbr.ind lr, $3  }
0x3a: {  	_ = 	snop  }
0x3b: {  	_ = 	snop  }
0x3c: {  	p2 =	seq.s32 s10, $0x1;
	s10 =	sld [smem:$0x3FBB]  }
0x3d: {  	_ =	shalt  }
0x3e: {  	_ =	shalt  }
0x3f: {  	_ =	shalt  }
0x40: {  	_ =	shalt  }
0x41: {  	_ =	shalt  }
0x42: {  	_ =	shalt  }
0x43: {  	_ =	shalt  }
0x44: {  	_ =	shalt  }
0x45: {  	_ =	shalt  }
0x46: {  	_ =	shalt  }
0x47: {  	_ =	shalt  }
0x48: {  	_ =	shalt  }
0x49: {  	_ =	shalt  }
0x4a: {  	_ =	shalt  }
0x4b: {  	_ =	shalt  }
0x4c: {  	_ =	shalt  }
0x4d: {  	_ =	shalt  }
0x4e: {  	_ =	shalt  }
0x4f: {  	_ =	shalt  }
0x50: {  	_ =	shalt  }
0x51: {  	_ =	shalt  }
0x52: {  	_ =	shalt  }
0x53: {  	_ =	shalt  }
0x54: {  	_ =	shalt  }
0x55: {  	_ =	shalt  }
0x56: {  	_ =	shalt  }
0x57: {  	_ =	shalt  }
0x58: {  	_ =	shalt  }
0x59: {  	_ =	shalt  }
0x5a: {  	_ =	shalt  }
0x5b: {  	_ =	shalt  }
0x5c: {  	_ =	shalt  }
0x5d: {  	_ =	shalt  }
0x5e: {  	_ =	shalt  }
0x5f: {  	_ =	shalt  }
0x60: {  	_ =	shalt  }
0x61: {  	_ =	shalt  }
0x62: {  	_ =	shalt  }
0x63: {  	_ =	shalt  }
0x64: {  	_ =	shalt  }
0x65: {  	_ =	shalt  }
0x66: {  	_ =	shalt  }
0x67: {  	_ =	shalt  }
0x68: {  	_ =	shalt  }
0x69: {  	_ =	shalt  }
0x6a: {  	_ =	shalt  }
0x6b: {  	_ =	shalt  }
0x6c: {  	_ =	shalt  }
0x6d: {  	_ =	shalt  }
0x6e: {  	_ =	shalt  }
0x6f: {  	_ =	shalt  }
0x70: {  	_ =	shalt  }
0x71: {  	_ =	shalt  }
0x72: {  	_ =	shalt  }
0x73: {  	_ =	shalt  }
0x74: {  	_ =	shalt  }
0x75: {  	_ =	shalt  }
0x76: {  	_ =	shalt  }
0x77: {  	_ =	shalt  }
0x78: {  	_ =	shalt  }
0x79: {  	_ =	shalt  }
0x7a: {  	_ =	shalt  }
0x7b: {  	_ =	shalt  }
0x7c: {  	_ =	shalt  }
0x7d: {  	_ =	shalt  }
0x7e: {  	_ =	shalt  }
0x7f: {  	_ =	shalt  }
0x80: {  	_ =	shalt  }
0x81: {  	_ =	shalt  }
0x82: {  	_ =	shalt  }
0x83: {  	_ =	shalt  }
0x84: {  	_ =	shalt  }
0x85: {  	_ =	shalt  }
0x86: {  	_ =	shalt  }
0x87: {  	_ =	shalt  }
.Lfunc_end0:
.L_simem_size_0:
called_computation_lowered:
.L_overlay_start_0:
0x88: {  	s2 =	sld [smem:$0x3FD9]  }
0x89: {  	s3 =	sld [smem:$0x3FFE];
	_ =	sdelay $0x1  }
0x8a: {  	s1 =	srdreg.scid  }
0x8b: {  	s0 =	sand.u32 $0x1, s1  }
0x8c: {  	s18 =	sshll.u32 s0, $0xA;
	s2 =	sadd.s32 s3, s2  }
0x8d: {  	s2 =	sadd.s32 s2, s18  }
0x8e: {  	[smem:$0x3FC7] =	sst s2  }
0x8f: {  	_ = 	snop  }
0x90: {  	s2 =	sld [smem:$0x3FC9]  }
0x91: {  	s19 =	sld [smem:$0x3FD0];
	(tm) =	ssettm $0x1  }
0x92: {  	s4 =	sld [smem:$0x3FFB];
	_ =	sdelay $0x3  }
0x93: {  	_ =	strace s4  }
0x94: {  	s4 =	sld [smem:$0x3FFC];
	_ =	sdelay $0x3  }
0x95: {  	_ =	strace s4  }
0x96: {  	s4 =	sld [smem:$0x3FFD];
	_ =	sdelay $0x3  }
0x97: {  	_ =	strace s4  }
0x98: {  	_ =	strace $0x8FFFFFFF  }
0x99: {  	s20 =	sld [smem:$0x3FDB];
	_ =	sdelay $0x1  }
0x9a: {  	s5 =	simm.s32 $_scs_section_size  }
0x9b: {  	s6 =	simm.s32 $_size__tile_overlayer_lowered;
	s7 =	simm.s32 $_tile_overlayer_lowered  }
0x9c: {  	s23 =	simm.s32 $0x1BFF;
	s22 =	sshll.u32 s7, $0x1;
	s4 =	sadd.s32 s5, s20  }
0x9d: {  	s8 =	simm.s32 $0x0;
	s21 =	sshll.u32 s6, $0x1;
	s6 =	sadd.s32 s22, s4  }
0x9e: {  	[timem:s8], [sflag:s23] =	dma.local [hbm:s6], s21  }
0x9f: {  	_ =	swait.ge [sflag:s23], s21  }
0xa0: {  	s5 =	ssub.s32 $0x0, s21;
	[sflag:s23] =	ssyncset.done $0x0  }
0xa1: {  	[sflag:s23] =	ssyncadd.s32 s5;
	_ =	sdelay $0x1  }
0xa2: {  	s24 =	simm.s32 $0x1B8B  }
0xa3: {  	_ =	swait.ge [sflag:s24], $0x1  }
0xa4: {  	[sflag:s24] =	ssyncset.done $0x0  }
0xa5: {  	s25 =	simm.s32 $0x1B8E;
	[sflag:s24] =	ssyncadd.s32 $0xFFFFFFFF  }
0xa6: {  	s26 =	simm.s32 $execute0_lowered;
	[smem:$0x3FD2] =	sst s25  }
0xa7: {  	s5 =	sshll.u32 s26, $0x1;
	_ =	strace $0x80000046;
	[dreg:$0x1] =	wrdreg $0xFFFFFFFF  }
0xa8: {  	s28 =	simm.s32 $_size_execute0_lowered;
	s4 =	sadd.s32 s4, s5;
	[dreg:$0x0] =	wrdreg $0x0  }
0xa9: {  	s5 =	sshll.u32 s28, $0x1;
	[dreg:$0x2] =	wrdreg s4  }
0xaa: {  	[dreg:$0x3] =	wrdreg s5  }
0xab: {  	[dreg:$0x4] =	wrdreg $0xC0  }
0xac: {  	_ =	task [dreg:s8], $0x5FFFF  }
0xad: {  	[dreg:$0x1] =	wrdreg $0xFFFFFFFF  }
0xae: {  	[dreg:$0x0] =	wrdreg $0x60  }
0xaf: {  	[dreg:$0x2] =	wrdreg s2  }
0xb0: {  	[dreg:$0x3] =	wrdreg s19  }
0xb1: {  	[dreg:$0x4] =	wrdreg $0x0  }
0xb2: {  	[dreg:$0x5] =	wrdreg $0x9  }
0xb3: {  	_ =	task.clear_ibuf [dreg:s8], $0x6FFFF;
	_ =	strace $0x90000046  }
0xb4: {  	s29 =	simm.s32 $0x9;
	_ =	strace $0x80000048  }
0xb5: {  	_ =	swait.ge [sflag:s29], $0x1  }
0xb6: {  	[sflag:s29] =	ssyncadd.s32 $0xFFFFFFFF  }
0xb7: {  	_ =	strace $0x90000048  }
0xb8: {  	_ =	sfence  }
0xb9: {  	s30 =	sld [smem:$0x0];
	_ =	sdelay $0x2  }
0xba: {  	s31 =	sshll.u32 s1, $0xD;
	s1 =	sshrl.u32 s1, $0x2  }
0xbb: {  	s3 =	sand.u32 $0x4000, s31;
	s1 =	sadd.s32 s1, s30  }
0xbc: {  	s0 =	sor.u32 s3, s0;
	s1 =	sshll.u32 s1, $0x11  }
0xbd: {  	s0 =	sor.u32 s1, s0  }
0xbe: {  	s0 =	sadd.s32 $0x8F2B, s0  }
0xbf: {  	[sflag:s0] =	ssyncadd.remote.s32 $0x1  }
0xc0: {  	_ =	sfence.sel $0xFFFF  }
0xc1: {  	[dreg:$0x0] =	wrdreg $0xFFFFFFFF;
	(pc) =	sbr.abs _section_cstart, $3  }
0xc2: {  	[dreg:$0x1] =	wrdreg $0xFFFFFFFF  }
0xc3: {  	_ =	task.clear_ibuf [dreg:s8], $0x2FFFF;
	_ =	strace $0x9FFFFFFF  }
0xc4: {  	(tm) =	ssettm $0x7FFFFFFF  }
0xc5: {  	_ =	shalt  }
tec
execute0_lowered:
.L_overlay_start_1:
0x0: {  	(tag) =	ssettag $0x1  }
0x1: {  	s0 =	rddreg [dreg:$0x0]  }
0x2: {  	s2 =	rddreg [dreg:$0x1];
	s8 =	stileid.u32  }
0x3: {  	s1 =	rddreg [dreg:$0x2];
	s7 =	smul.u32 $0x3100, s8  }
0x4: {  	s3 =	srdreg.scid;
	s25 =	smul.u32 $0xC400, s8  }
0x5: {  	s5 =	sand.u32 $0x1, s3;
	s3 =	simm.s32 $0x0;
	s12 =	smul.u32 $0x31000, s8  }
0x6: {  	s4 =	ssub.s32 $0x2, s5;
	[smem:$0x7FF] =	sst s3;
	s11 =	smul.u32 $0x18800, s5  }
0x7: {  	s24 =	sshll.u32 s5, $0x8;
	s6 =	sshrl.u32 s4, $0x1;
	_ =	strace $0x80000047  }
0x8: {  	s8 =	sor.u32 $0xC808, s24;
	s9 =	sor.u32 $0xC888, s24;
	s31 =	sshrl.u32 s12, $0x2  }
0x9: {  	s5 =	sadd.s32 s25, s1;
	s10 =	ssub.s32 s4, s6;
	s4 =	sadd.s32 s0, s7  }
0xa: {  	s6 =	sor.u32 $0xC408, s24;
	s7 =	sor.u32 $0xC488, s24;
	s24 =	sshrl.u32 s5, $0x3  }
0xb: {  	s29 =	sadd.s32 s2, s11;
	s26 =	sadd.s32 $0x80, s4;
	[dreg:$0x13] =	wrdreg s24  }
0xc: {  	s11 =	sadd.s32 s31, s1;
	s10 =	smax.u32 s10, $0x1;
	[dreg:$0x4] =	wrdreg s26  }
0xd: {  	s12 =	sadd.s32 $0x700, s11;
	[dreg:$0x5] =	wrdreg s10  }
0xe: {  	s13 =	sadd.s32 $0xE00, s11;
	[dreg:$0x6] =	wrdreg s12  }
0xf: {  	s14 =	sadd.s32 $0x1500, s11;
	[dreg:$0x7] =	wrdreg s13  }
0x10: {  	s15 =	sadd.s32 $0x1C00, s11;
	[dreg:$0x8] =	wrdreg s14  }
0x11: {  	s16 =	sadd.s32 $0x2300, s11;
	[dreg:$0x9] =	wrdreg s15  }
0x12: {  	s17 =	sadd.s32 $0x2A00, s11;
	[dreg:$0xa] =	wrdreg s16  }
0x13: {  	s18 =	sadd.s32 $0x3100, s11;
	[dreg:$0xb] =	wrdreg s17  }
0x14: {  	s19 =	sadd.s32 $0x3800, s11;
	[dreg:$0xc] =	wrdreg s18  }
0x15: {  	s20 =	sadd.s32 $0x3F00, s11;
	[dreg:$0xd] =	wrdreg s19  }
0x16: {  	s21 =	sadd.s32 $0x4600, s11;
	[dreg:$0xe] =	wrdreg s20  }
0x17: {  	s30 =	sshrl.u32 s25, $0x3;
	s22 =	sadd.s32 $0x4D00, s11;
	[dreg:$0xf] =	wrdreg s21  }
0x18: {  	s0 =	sadd.s32 s30, s29;
	[dreg:$0x10] =	wrdreg s22  }
0x19: {  	s28 =	simm.s32 $0x0;
	s23 =	sadd.s32 $0x5400, s11;
	[dreg:$0x11] =	wrdreg s0  }
0x1a: {  	s25 =	sadd.s32 $0x5B00, s11;
	s29 =	sadd.s32 $0x6900, s11;
	[dreg:$0x12] =	wrdreg s23  }
0x1b: {  	s30 =	sadd.s32 $0x7000, s11;
	s31 =	sadd.s32 $0x7700, s11;
	[dreg:$0x14] =	wrdreg s25  }
0x1c: {  	s2 =	sadd.s32 $0x8500, s11;
	s5 =	sadd.s32 $0x8C00, s11;
	[dreg:$0x16] =	wrdreg s29  }
0x1d: {  	s24 =	simm.s32 $0xCC08;
	s26 =	sadd.s32 $0x6200, s11;
	[dreg:$0x17] =	wrdreg s30  }
0x1e: {  	[dreg:$0x18] =	wrdreg s31;
	s0 =	sadd.s32 $0x7E00, s11;
	s10 =	sadd.s32 $0x9300, s11  }
0x1f: {  	s12 =	sadd.s32 $0x9A00, s11;
	s13 =	sadd.s32 $0xA100, s11;
	s14 =	sadd.s32 $0xA800, s11  }
0x20: {  	s15 =	sadd.s32 $0xAF00, s11;
	s16 =	sadd.s32 $0xB600, s11;
	s17 =	sadd.s32 $0xBD00, s11  }
0x21: {  	s18 =	simm.s32 $0xD408;
	s19 =	simm.s32 $0x3;
	s20 =	simm.s32 $0xC408  }
0x22: {  	s21 =	simm.s32 $0xC808;
	s22 =	simm.s32 $0x1;
	s23 =	simm.s32 $0x80  }
0x23: {  	v0 =	vimm.f32 $1.000000000e+00;
	v1 =	vimm.f32 $0.0e+00;
	s25 =	simm.s32 $0x2;
	[dreg:$0x15] =	wrdreg s26;
	s26 =	simm.s32 $0x4  }
.LBB2_1:
0x24: {  	s29 =	simm.s32 $0x0  }
.LBB2_2:
0x25: {  	p0 =	sne.s32 s29, $0x1FC0  }
.Ltmp0:
0x26: {  	_ = 	snop;
	(pc) =	sbr.rel @p0 .LBB2_2-.Ltmp0, $3  }
0x27: {  	_ =	sdelay $0x1  }
0x28: {  	s30 =	sshra.s32 s29, $0x2  }
0x29: {  	s29 =	sadd.s32 $0x40, s29;
	[tilespmem:s30+$0xCC08] =	vst v0  }
0x2a: {  	s29 =	simm.s32 $0x40;
	s30 =	simm.s32 $0x0  }
.LBB2_4:
0x2b: {  	p0 =	sne.s32 s29, $0x1BC0;
	[tilespmem:s30+$0xD408] =	vst v1;
	s30 =	smov.u32 s29;
	s29 =	sadd.s32 $0x40, s29  }
.Ltmp1:
0x2c: {  	(pc) =	sbr.rel @p0 .LBB2_4-.Ltmp1, $2  }
0x2d: {  	_ =	sdelay $0x2  }
0x2e: {  	s30 =	sshra.s32 s30, $0x2  }
0x2f: {  	[tilespmem:s30+$0xD408] =	vst v1  }
0x30: {  	[spmem:s11] =	stream.linear.scatter [tilespmem:s18], [sflag:$0x3], $0x700, $0x38;
	[tilespmem:$0xDB08] =	vst v63  }
0x31: {  	s29 =	rddreg [dreg:$0x6]  }
0x32: {  	[spmem:s29] =	stream.linear.scatter [tilespmem:s18], [sflag:$0x3], $0x700, $0x38;
	[tilespmem:$0xDB08] =	vst v63  }
0x33: {  	s29 =	rddreg [dreg:$0x7]  }
0x34: {  	[spmem:s29] =	stream.linear.scatter [tilespmem:s18], [sflag:$0x3], $0x700, $0x38;
	[tilespmem:$0xDB08] =	vst v63  }
0x35: {  	s29 =	rddreg [dreg:$0x8]  }
0x36: {  	[spmem:s29] =	stream.linear.scatter [tilespmem:s18], [sflag:$0x3], $0x700, $0x38;
	[tilespmem:$0xDB08] =	vst v63  }
0x37: {  	s29 =	rddreg [dreg:$0x9]  }
0x38: {  	[spmem:s29] =	stream.linear.scatter [tilespmem:s18], [sflag:$0x3], $0x700, $0x38;
	[tilespmem:$0xDB08] =	vst v63  }
0x39: {  	s29 =	rddreg [dreg:$0xa]  }
0x3a: {  	[spmem:s29] =	stream.linear.scatter [tilespmem:s18], [sflag:$0x3], $0x700, $0x38;
	[tilespmem:$0xDB08] =	vst v63  }
0x3b: {  	s29 =	rddreg [dreg:$0xb]  }
0x3c: {  	[spmem:s29] =	stream.linear.scatter [tilespmem:s18], [sflag:$0x3], $0x700, $0x38;
	[tilespmem:$0xDB08] =	vst v63  }
0x3d: {  	s29 =	rddreg [dreg:$0xc]  }
0x3e: {  	[spmem:s29] =	stream.linear.scatter [tilespmem:s18], [sflag:$0x3], $0x700, $0x38;
	[tilespmem:$0xDB08] =	vst v63  }
0x3f: {  	s29 =	rddreg [dreg:$0xd]  }
0x40: {  	[spmem:s29] =	stream.linear.scatter [tilespmem:s18], [sflag:$0x3], $0x700, $0x38;
	[tilespmem:$0xDB08] =	vst v63  }
0x41: {  	s29 =	rddreg [dreg:$0xe]  }
0x42: {  	[spmem:s29] =	stream.linear.scatter [tilespmem:s18], [sflag:$0x3], $0x700, $0x38;
	[tilespmem:$0xDB08] =	vst v63  }
0x43: {  	s29 =	rddreg [dreg:$0xf]  }
0x44: {  	[spmem:s29] =	stream.linear.scatter [tilespmem:s18], [sflag:$0x3], $0x700, $0x38;
	[tilespmem:$0xDB08] =	vst v63  }
0x45: {  	s29 =	rddreg [dreg:$0x10]  }
0x46: {  	[spmem:s29] =	stream.linear.scatter [tilespmem:s18], [sflag:$0x3], $0x700, $0x38;
	[tilespmem:$0xDB08] =	vst v63  }
0x47: {  	s29 =	rddreg [dreg:$0x12]  }
0x48: {  	[spmem:s29] =	stream.linear.scatter [tilespmem:s18], [sflag:$0x3], $0x700, $0x38;
	[tilespmem:$0xDB08] =	vst v63  }
0x49: {  	s29 =	rddreg [dreg:$0x14]  }
0x4a: {  	[spmem:s29] =	stream.linear.scatter [tilespmem:s18], [sflag:$0x3], $0x700, $0x38;
	[tilespmem:$0xDB08] =	vst v63  }
0x4b: {  	s29 =	rddreg [dreg:$0x15]  }
0x4c: {  	[spmem:s29] =	stream.linear.scatter [tilespmem:s18], [sflag:$0x3], $0x700, $0x38;
	[tilespmem:$0xDB08] =	vst v63  }
0x4d: {  	s29 =	rddreg [dreg:$0x16]  }
0x4e: {  	[spmem:s29] =	stream.linear.scatter [tilespmem:s18], [sflag:$0x3], $0x700, $0x38;
	[tilespmem:$0xDB08] =	vst v63  }
0x4f: {  	s29 =	rddreg [dreg:$0x17]  }
0x50: {  	[spmem:s29] =	stream.linear.scatter [tilespmem:s18], [sflag:$0x3], $0x700, $0x38;
	[tilespmem:$0xDB08] =	vst v63  }
0x51: {  	s29 =	rddreg [dreg:$0x18]  }
0x52: {  	[spmem:s29] =	stream.linear.scatter [tilespmem:s18], [sflag:$0x3], $0x700, $0x38;
	[tilespmem:$0xDB08] =	vst v63  }
0x53: {  	_ = 	snop  }
0x54: {  	[spmem:s0] =	stream.linear.scatter [tilespmem:s18], [sflag:$0x3], $0x700, $0x38;
	[tilespmem:$0xDB08] =	vst v63  }
0x55: {  	_ = 	snop  }
0x56: {  	[spmem:s2] =	stream.linear.scatter [tilespmem:s18], [sflag:$0x3], $0x700, $0x38;
	[tilespmem:$0xDB08] =	vst v63  }
0x57: {  	_ = 	snop  }
0x58: {  	[spmem:s5] =	stream.linear.scatter [tilespmem:s18], [sflag:$0x3], $0x700, $0x38;
	[tilespmem:$0xDB08] =	vst v63  }
0x59: {  	_ = 	snop  }
0x5a: {  	[spmem:s10] =	stream.linear.scatter [tilespmem:s18], [sflag:$0x3], $0x700, $0x38;
	[tilespmem:$0xDB08] =	vst v63  }
0x5b: {  	_ = 	snop  }
0x5c: {  	[spmem:s12] =	stream.linear.scatter [tilespmem:s18], [sflag:$0x3], $0x700, $0x38;
	[tilespmem:$0xDB08] =	vst v63  }
0x5d: {  	_ = 	snop  }
0x5e: {  	[spmem:s13] =	stream.linear.scatter [tilespmem:s18], [sflag:$0x3], $0x700, $0x38;
	[tilespmem:$0xDB08] =	vst v63  }
0x5f: {  	_ = 	snop  }
0x60: {  	[spmem:s14] =	stream.linear.scatter [tilespmem:s18], [sflag:$0x3], $0x700, $0x38;
	[tilespmem:$0xDB08] =	vst v63  }
0x61: {  	_ = 	snop  }
0x62: {  	[spmem:s15] =	stream.linear.scatter [tilespmem:s18], [sflag:$0x3], $0x700, $0x38;
	[tilespmem:$0xDB08] =	vst v63  }
0x63: {  	_ = 	snop  }
0x64: {  	[spmem:s16] =	stream.linear.scatter [tilespmem:s18], [sflag:$0x3], $0x700, $0x38;
	[tilespmem:$0xDB08] =	vst v63  }
0x65: {  	_ = 	snop  }
0x66: {  	[spmem:s17] =	stream.linear.scatter [tilespmem:s18], [sflag:$0x3], $0x700, $0x38;
	[tilespmem:$0xDB08] =	vst v63  }
0x67: {  	_ =	swait.ge [sflag:s19], $0x700  }
0x68: {  	[sflag:s19] =	ssyncset.done $0x0  }
0x69: {  	[sflag:s19] =	ssyncadd.s32 $0xFFFFF900  }
0x6a: {  	_ =	swait.ge [sflag:s19], $0x700  }
0x6b: {  	[sflag:s19] =	ssyncset.done $0x0  }
0x6c: {  	[sflag:s19] =	ssyncadd.s32 $0xFFFFF900  }
0x6d: {  	_ =	swait.ge [sflag:s19], $0x700  }
0x6e: {  	[sflag:s19] =	ssyncset.done $0x0  }
0x6f: {  	[sflag:s19] =	ssyncadd.s32 $0xFFFFF900  }
0x70: {  	_ =	swait.ge [sflag:s19], $0x700  }
0x71: {  	[sflag:s19] =	ssyncset.done $0x0  }
0x72: {  	[sflag:s19] =	ssyncadd.s32 $0xFFFFF900  }
0x73: {  	_ =	swait.ge [sflag:s19], $0x700  }
0x74: {  	[sflag:s19] =	ssyncset.done $0x0  }
0x75: {  	[sflag:s19] =	ssyncadd.s32 $0xFFFFF900  }
0x76: {  	_ =	swait.ge [sflag:s19], $0x700  }
0x77: {  	[sflag:s19] =	ssyncset.done $0x0  }
0x78: {  	[sflag:s19] =	ssyncadd.s32 $0xFFFFF900  }
0x79: {  	_ =	swait.ge [sflag:s19], $0x700  }
0x7a: {  	[sflag:s19] =	ssyncset.done $0x0  }
0x7b: {  	[sflag:s19] =	ssyncadd.s32 $0xFFFFF900  }
0x7c: {  	_ =	swait.ge [sflag:s19], $0x700  }
0x7d: {  	[sflag:s19] =	ssyncset.done $0x0  }
0x7e: {  	[sflag:s19] =	ssyncadd.s32 $0xFFFFF900  }
0x7f: {  	_ =	swait.ge [sflag:s19], $0x700  }
0x80: {  	[sflag:s19] =	ssyncset.done $0x0  }
0x81: {  	[sflag:s19] =	ssyncadd.s32 $0xFFFFF900  }
0x82: {  	_ =	swait.ge [sflag:s19], $0x700  }
0x83: {  	[sflag:s19] =	ssyncset.done $0x0  }
0x84: {  	[sflag:s19] =	ssyncadd.s32 $0xFFFFF900  }
0x85: {  	_ =	swait.ge [sflag:s19], $0x700  }
0x86: {  	[sflag:s19] =	ssyncset.done $0x0  }
0x87: {  	[sflag:s19] =	ssyncadd.s32 $0xFFFFF900  }
0x88: {  	_ =	swait.ge [sflag:s19], $0x700  }
0x89: {  	[sflag:s19] =	ssyncset.done $0x0  }
0x8a: {  	[sflag:s19] =	ssyncadd.s32 $0xFFFFF900  }
0x8b: {  	_ =	swait.ge [sflag:s19], $0x700  }
0x8c: {  	[sflag:s19] =	ssyncset.done $0x0  }
0x8d: {  	[sflag:s19] =	ssyncadd.s32 $0xFFFFF900  }
0x8e: {  	_ =	swait.ge [sflag:s19], $0x700  }
0x8f: {  	[sflag:s19] =	ssyncset.done $0x0  }
0x90: {  	[sflag:s19] =	ssyncadd.s32 $0xFFFFF900  }
0x91: {  	_ =	swait.ge [sflag:s19], $0x700  }
0x92: {  	[sflag:s19] =	ssyncset.done $0x0  }
0x93: {  	[sflag:s19] =	ssyncadd.s32 $0xFFFFF900  }
0x94: {  	_ =	swait.ge [sflag:s19], $0x700  }
0x95: {  	[sflag:s19] =	ssyncset.done $0x0  }
0x96: {  	[sflag:s19] =	ssyncadd.s32 $0xFFFFF900  }
0x97: {  	_ =	swait.ge [sflag:s19], $0x700  }
0x98: {  	[sflag:s19] =	ssyncset.done $0x0  }
0x99: {  	[sflag:s19] =	ssyncadd.s32 $0xFFFFF900  }
0x9a: {  	_ =	swait.ge [sflag:s19], $0x700  }
0x9b: {  	[sflag:s19] =	ssyncset.done $0x0  }
0x9c: {  	[sflag:s19] =	ssyncadd.s32 $0xFFFFF900  }
0x9d: {  	_ =	swait.ge [sflag:s19], $0x700  }
0x9e: {  	[sflag:s19] =	ssyncset.done $0x0  }
0x9f: {  	[sflag:s19] =	ssyncadd.s32 $0xFFFFF900  }
0xa0: {  	_ =	swait.ge [sflag:s19], $0x700  }
0xa1: {  	[sflag:s19] =	ssyncset.done $0x0  }
0xa2: {  	[sflag:s19] =	ssyncadd.s32 $0xFFFFF900  }
0xa3: {  	_ =	swait.ge [sflag:s19], $0x700  }
0xa4: {  	[sflag:s19] =	ssyncset.done $0x0  }
0xa5: {  	[sflag:s19] =	ssyncadd.s32 $0xFFFFF900  }
0xa6: {  	_ =	swait.ge [sflag:s19], $0x700  }
0xa7: {  	[sflag:s19] =	ssyncset.done $0x0  }
0xa8: {  	[sflag:s19] =	ssyncadd.s32 $0xFFFFF900  }
0xa9: {  	_ =	swait.ge [sflag:s19], $0x700  }
0xaa: {  	[sflag:s19] =	ssyncset.done $0x0  }
0xab: {  	[sflag:s19] =	ssyncadd.s32 $0xFFFFF900  }
0xac: {  	_ =	swait.ge [sflag:s19], $0x700  }
0xad: {  	[sflag:s19] =	ssyncset.done $0x0  }
0xae: {  	[sflag:s19] =	ssyncadd.s32 $0xFFFFF900  }
0xaf: {  	_ =	swait.ge [sflag:s19], $0x700  }
0xb0: {  	[sflag:s19] =	ssyncset.done $0x0  }
0xb1: {  	[sflag:s19] =	ssyncadd.s32 $0xFFFFF900  }
0xb2: {  	_ =	swait.ge [sflag:s19], $0x700  }
0xb3: {  	[sflag:s19] =	ssyncset.done $0x0  }
0xb4: {  	[sflag:s19] =	ssyncadd.s32 $0xFFFFF900  }
0xb5: {  	_ =	swait.ge [sflag:s19], $0x700  }
0xb6: {  	[sflag:s19] =	ssyncset.done $0x0  }
0xb7: {  	[sflag:s19] =	ssyncadd.s32 $0xFFFFF900  }
0xb8: {  	_ =	swait.ge [sflag:s19], $0x700  }
0xb9: {  	[sflag:s19] =	ssyncset.done $0x0  }
0xba: {  	[sflag:s19] =	ssyncadd.s32 $0xFFFFF900  }
0xbb: {  	[bflag:$0x0] =	sbarrier.arrive $0xFFFF  }
0xbc: {  	[tilespmem:s20], [sflag:$0x1] =	stream.linear.gather [hbm4b:s4+s3], $0x400, $0x38;
	[tilespmem:$0xDB08] =	vst v63  }
0xbd: {  	s29 =	rddreg [dreg:$0x4]  }
0xbe: {  	[tilespmem:s21], [sflag:$0x2] =	stream.linear.gather [hbm4b:s29+s3], $0x400, $0x38;
	[tilespmem:$0xDB08] =	vst v63  }
0xbf: {  	_ =	swait.ge [sflag:s22], $0x400  }
0xc0: {  	[sflag:s22] =	ssyncset.done $0x0  }
0xc1: {  	[sflag:s22] =	ssyncadd.s32 $0xFFFFFC00  }
0xc2: {  	[spmem:s1] =	stream.indirect.scatter.add.f32 [tilespmem:s24], [sflag:$0x3], $0x10, s6, s23, $0xb8;
	[tilespmem:$0xDB08] =	vst v63  }
0xc3: {  	_ = 	snop  }
0xc4: {  	[spmem:s1] =	stream.indirect.scatter.add.f32 [tilespmem:s24], [sflag:$0x3], $0x10, s7, s23, $0xb8;
	[tilespmem:$0xDB08] =	vst v63  }
0xc5: {  	_ =	swait.ge [sflag:s19], $0x800  }
0xc6: {  	[sflag:s19] =	ssyncset.done $0x0  }
0xc7: {  	[sflag:s19] =	ssyncadd.s32 $0xFFFFF800  }
0xc8: {  	_ =	swait.ge [sflag:s19], $0x800  }
0xc9: {  	s30 =	sadd.s32 $0xFFFFD000, s4;
	[sflag:s19] =	ssyncset.done $0x0  }
0xca: {  	s29 =	sadd.s32 $0x3100, s30;
	[sflag:s19] =	ssyncadd.s32 $0xFFFFF800  }
0xcb: {  	[tilespmem:s20], [sflag:$0x1] =	stream.linear.gather [hbm4b:s29+s3], $0x400, $0x38;
	[tilespmem:$0xDB08] =	vst v63  }
0xcc: {  	_ =	swait.ge [sflag:s25], $0x400  }
0xcd: {  	[sflag:s25] =	ssyncset.done $0x0  }
0xce: {  	[sflag:s25] =	ssyncadd.s32 $0xFFFFFC00  }
0xcf: {  	[spmem:s1] =	stream.indirect.scatter.add.f32 [tilespmem:s24], [sflag:$0x3], $0x10, s8, s23, $0xb8;
	[tilespmem:$0xDB08] =	vst v63  }
0xd0: {  	_ = 	snop  }
0xd1: {  	[spmem:s1] =	stream.indirect.scatter.add.f32 [tilespmem:s24], [sflag:$0x3], $0x10, s9, s23, $0xb8;
	[tilespmem:$0xDB08] =	vst v63  }
0xd2: {  	_ =	swait.ge [sflag:s19], $0x800  }
0xd3: {  	[sflag:s19] =	ssyncset.done $0x0  }
0xd4: {  	[sflag:s19] =	ssyncadd.s32 $0xFFFFF800  }
0xd5: {  	_ =	swait.ge [sflag:s19], $0x800  }
0xd6: {  	[sflag:s19] =	ssyncset.done $0x0  }
0xd7: {  	s30 =	sadd.s32 $0x3180, s30;
	s29 =	simm.s32 $0xFFFFD100;
	[sflag:s19] =	ssyncadd.s32 $0xFFFFF800  }
.LBB2_6:
0xd8: {  	[tilespmem:s21], [sflag:$0x2] =	stream.linear.gather [hbm4b:s30+s3], $0x400, $0x38;
	[tilespmem:$0xDB08] =	vst v63  }
0xd9: {  	s30 =	smov.u32 s29  }
0xda: {  	p0 =	sne.s32 s29, $0xFFFFFF00;
	s29 =	sadd.s32 $0x100, s29;
	_ =	swait.ge [sflag:s22], $0x400  }
0xdb: {  	[sflag:s22] =	ssyncset.done $0x0  }
0xdc: {  	[sflag:s22] =	ssyncadd.s32 $0xFFFFFC00  }
0xdd: {  	[spmem:s1] =	stream.indirect.scatter.add.f32 [tilespmem:s24], [sflag:$0x3], $0x10, s6, s23, $0xb8;
	[tilespmem:$0xDB08] =	vst v63  }
0xde: {  	_ = 	snop  }
0xdf: {  	[spmem:s1] =	stream.indirect.scatter.add.f32 [tilespmem:s24], [sflag:$0x3], $0x10, s7, s23, $0xb8;
	[tilespmem:$0xDB08] =	vst v63  }
0xe0: {  	_ =	swait.ge [sflag:s19], $0x800  }
0xe1: {  	[sflag:s19] =	ssyncset.done $0x0  }
0xe2: {  	[sflag:s19] =	ssyncadd.s32 $0xFFFFF800  }
0xe3: {  	_ =	swait.ge [sflag:s19], $0x800  }
0xe4: {  	s30 =	sadd.s32 s30, s4;
	[sflag:s19] =	ssyncset.done $0x0  }
0xe5: {  	s31 =	sadd.s32 $0x3100, s30;
	[sflag:s19] =	ssyncadd.s32 $0xFFFFF800  }
0xe6: {  	[tilespmem:s20], [sflag:$0x1] =	stream.linear.gather [hbm4b:s31+s3], $0x400, $0x38;
	[tilespmem:$0xDB08] =	vst v63  }
0xe7: {  	_ =	swait.ge [sflag:s25], $0x400  }
0xe8: {  	[sflag:s25] =	ssyncset.done $0x0  }
0xe9: {  	[sflag:s25] =	ssyncadd.s32 $0xFFFFFC00  }
0xea: {  	[spmem:s1] =	stream.indirect.scatter.add.f32 [tilespmem:s24], [sflag:$0x3], $0x10, s8, s23, $0xb8;
	[tilespmem:$0xDB08] =	vst v63  }
0xeb: {  	_ = 	snop  }
0xec: {  	[spmem:s1] =	stream.indirect.scatter.add.f32 [tilespmem:s24], [sflag:$0x3], $0x10, s9, s23, $0xb8;
	[tilespmem:$0xDB08] =	vst v63  }
0xed: {  	_ =	swait.ge [sflag:s19], $0x800  }
.Ltmp2:
0xee: {  	[sflag:s19] =	ssyncset.done $0x0;
	(pc) =	sbr.rel @p0 .LBB2_6-.Ltmp2, $4  }
0xef: {  	[sflag:s19] =	ssyncadd.s32 $0xFFFFF800  }
0xf0: {  	_ =	swait.ge [sflag:s19], $0x800  }
0xf1: {  	[sflag:s19] =	ssyncset.done $0x0  }
0xf2: {  	s30 =	sadd.s32 $0x3180, s30;
	[sflag:s19] =	ssyncadd.s32 $0xFFFFF800  }
0xf3: {  	[tilespmem:s21], [sflag:$0x2] =	stream.linear.gather [hbm4b:s30+s3], $0x400, $0x38;
	[tilespmem:$0xDB08] =	vst v63  }
0xf4: {  	_ =	swait.ge [sflag:s22], $0x400  }
0xf5: {  	[sflag:s22] =	ssyncset.done $0x0  }
0xf6: {  	[sflag:s22] =	ssyncadd.s32 $0xFFFFFC00  }
0xf7: {  	[spmem:s1] =	stream.indirect.scatter.add.f32 [tilespmem:s24], [sflag:$0x3], $0x10, s6, s23, $0xb8;
	[tilespmem:$0xDB08] =	vst v63  }
0xf8: {  	_ = 	snop  }
0xf9: {  	[spmem:s1] =	stream.indirect.scatter.add.f32 [tilespmem:s24], [sflag:$0x3], $0x10, s7, s23, $0xb8;
	[tilespmem:$0xDB08] =	vst v63  }
0xfa: {  	_ =	swait.ge [sflag:s19], $0x800  }
0xfb: {  	[sflag:s19] =	ssyncset.done $0x0  }
0xfc: {  	[sflag:s19] =	ssyncadd.s32 $0xFFFFF800  }
0xfd: {  	_ =	swait.ge [sflag:s19], $0x800  }
0xfe: {  	[sflag:s19] =	ssyncset.done $0x0  }
0xff: {  	[sflag:s19] =	ssyncadd.s32 $0xFFFFF800  }
0x100: {  	_ =	swait.ge [sflag:s25], $0x400  }
0x101: {  	[sflag:s25] =	ssyncset.done $0x0  }
0x102: {  	[sflag:s25] =	ssyncadd.s32 $0xFFFFFC00  }
0x103: {  	[spmem:s1] =	stream.indirect.scatter.add.f32 [tilespmem:s24], [sflag:$0x3], $0x10, s8, s23, $0xb8;
	[tilespmem:$0xDB08] =	vst v63  }
0x104: {  	_ = 	snop  }
0x105: {  	[spmem:s1] =	stream.indirect.scatter.add.f32 [tilespmem:s24], [sflag:$0x3], $0x10, s9, s23, $0xb8;
	[tilespmem:$0xDB08] =	vst v63  }
0x106: {  	_ =	swait.ge [sflag:s19], $0x800  }
0x107: {  	[sflag:s19] =	ssyncset.done $0x0  }
0x108: {  	[sflag:s19] =	ssyncadd.s32 $0xFFFFF800  }
0x109: {  	_ =	swait.ge [sflag:s19], $0x800  }
0x10a: {  	[sflag:s19] =	ssyncset.done $0x0  }
0x10b: {  	[sflag:s19] =	ssyncadd.s32 $0xFFFFF800  }
0x10c: {  	s29 =	stileid.u32;
	[bflag:$0x0] =	sbarrier.arrive $0xFFFF  }
0x10d: {  	s29 =	sshll.u32 s29, $0x6;
	s30 =	rddreg [dreg:$0x11]  }
0x10e: {  	s29 =	sor.u32 $0x1C04, s29;
	s31 =	rddreg [dreg:$0x13]  }
0x10f: {  	[hbm:s30], [sflag:s29] =	dma.local [spmem:s31], $0x1880  }
0x110: {  	_ =	swait.ge [sflag:s26], $0x1880  }
0x111: {  	s28 =	sadd.s32 $0x1, s28;
	s31 =	rddreg [dreg:$0x5]  }
0x112: {  	p0 =	sne.s32 s28, s31  }
.Ltmp3:
0x113: {  	_ = 	snop;
	(pc) =	sbr.rel @p0 .LBB2_1-.Ltmp3, $3  }
0x114: {  	_ =	sdelay $0x1  }
0x115: {  	[sflag:s26] =	ssyncset.done $0x0  }
0x116: {  	[sflag:s26] =	ssyncadd.s32 $0xFFFFE780  }
0x117: {  	_ =	sfence.sel $0x180000  }
0x118: {  	[bflag:$0x0] =	sbarrier.arrive $0xFFFF  }
0x119: {  	_ =	strace $0x90000047  }
0x11a: {  	s0 =	stileid.u32;
	[bflag:$0x2] =	sbarrier.arrive $0xFFFF  }
0x11b: {  	p0 =	sne.s32 s0, $0x0;
	s0 =	rddreg [dreg:$0x3]  }
0x11c: {  	s0 =	sadd.s32 @!p0 $0x100000, s0  }
0x11d: {  	[sflag:s0] =	ssyncadd.tile.s32 @!p0 $0x1;
	_ =	shalt  }
.Lfunc_end2:
_tile_overlayer_lowered:
.L_overlay_start_2:
0x11e: {  	(tag) =	ssettag $0x2  }
0x11f: {  	s0 =	rddreg [dreg:$0x0];
	s2 =	stileid.u32  }
0x120: {  	s1 =	rddreg [dreg:$0x1];
	p0 =	sne.s32 s2, $0x0  }
0x121: {  	s3 =	rddreg [dreg:$0x2];
	[bflag:$0x3] =	sbarrier.arrive $0xFFFF;
	s2 =	simm.s32 @!p0 $0x1C04  }
0x122: {  	[timem:s3], [sflag:s2] =	dma.local @!p0 [hbm:s0], s1  }
0x123: {  	s0 =	simm.s32 @!p0 $0x4  }
0x124: {  	_ =	swait.ge @!p0 [sflag:s0], s1  }
0x125: {  	s1 =	ssub.s32 @!p0 $0x0, s1;
	[sflag:s0] =	ssyncset.done @!p0 $0x0  }
0x126: {  	[sflag:s0] =	ssyncadd.s32 @!p0 s1  }
0x127: {  	[bflag:$0x3] =	sbarrier.arrive $0xFFFF  }
0x128: {  	_ =	shalt  }

</sc_bundles>
